<compile_context>
chip_gen: v7x
topology: tpu7x:2x2x1
jax: 0.10.2.dev20260603
libtpu: 0.0.44.dev20260713+nightly
codegen_flags: <defaults>
</compile_context>

<pallas_src>
import functools

import jax
import jax.numpy as jnp
from jax import lax
from jax.experimental import pallas as pl
from jax.experimental.pallas import tpu as pltpu
from jax.experimental.pallas import tpu_sc as plsc

_BATCH = 16384
_EMB = 64
_BACKEND = 128
_NCLS = 128
_VOCAB = 100000

_HALF = 8192
_UNROLL = 4


def _build_gather_t():
    info = plsc.get_sparse_core_info()
    nw = info.num_cores * info.num_subcores
    rounds = _EMB // nw
    n_half = _BATCH // _HALF
    groups = _HALF // 16
    mesh = plsc.VectorSubcoreMesh(core_axis_name="c", subcore_axis_name="s")

    @functools.partial(
        pl.kernel,
        mesh=mesh,
        compiler_params=pltpu.CompilerParams(
            needs_layout_passes=False,
            disable_bounds_checks=True,
            disable_semaphore_checks=True),
        out_type=jax.ShapeDtypeStruct((_EMB, _BATCH), jnp.float32),
        scratch_types=[
            pltpu.VMEM((_VOCAB,), jnp.float32),
            pltpu.VMEM((_BATCH,), jnp.int32),
            pltpu.VMEM((_HALF,), jnp.float32),
        ],
    )
    def gather_t(idx_hbm, table_t_hbm, out_hbm, row_v, idx_v, out_v):
        wid = lax.axis_index("s") * info.num_cores + lax.axis_index("c")
        pltpu.sync_copy(idx_hbm, idx_v)

        def row_body(r, _):
            f = wid * rounds + r
            pltpu.sync_copy(table_t_hbm.at[f], row_v)

            def half_body(h, _):
                @plsc.parallel_loop(0, groups * 16, step=16 * _UNROLL)
                def _(base):
                    for u in range(_UNROLL):
                        out_v[pl.ds(base + u * 16, 16)] = (
                            plsc.load_gather(
                                row_v,
                                [idx_v[pl.ds(h * _HALF + base + u * 16, 16)]])
                        )
                pltpu.sync_copy(out_v, out_hbm.at[f, pl.ds(h * _HALF, _HALF)])
                return 0

            lax.fori_loop(0, n_half, half_body, 0)
            return 0

        lax.fori_loop(0, rounds, row_body, 0)

    return gather_t


_gather_t = _build_gather_t()


def _mm_body(x_ref, ft_ref, w1_ref, w2_ref, b_ref, o_ref):
    xb = x_ref[...].astype(jnp.bfloat16)
    fb = ft_ref[...].astype(jnp.bfloat16)
    o_ref[...] = (
        jnp.dot(xb, w1_ref[...].astype(jnp.bfloat16),
                preferred_element_type=jnp.float32)
        + lax.dot_general(
            fb, w2_ref[...].astype(jnp.bfloat16), (((0,), (0,)), ((), ())),
            preferred_element_type=jnp.float32)
        + b_ref[...]
    )


def kernel(batched_data, class_emb, W, b, domains):
    table_t = class_emb.T
    feat_t = _gather_t(domains, table_t)

    w1t = W[:, :_BACKEND].T
    w2t = W[:, _BACKEND:].T
    b2d = b.reshape(1, _NCLS)

    bm = 8192
    out = pl.pallas_call(
        _mm_body,
        grid=(_BATCH // bm,),
        in_specs=[
            pl.BlockSpec((bm, _BACKEND), lambda i: (i, 0)),
            pl.BlockSpec((_EMB, bm), lambda i: (0, i)),
            pl.BlockSpec((_BACKEND, _NCLS), lambda i: (0, 0)),
            pl.BlockSpec((_EMB, _NCLS), lambda i: (0, 0)),
            pl.BlockSpec((1, _NCLS), lambda i: (0, 0)),
        ],
        out_specs=pl.BlockSpec((bm, _NCLS), lambda i: (i, 0)),
        out_shape=jax.ShapeDtypeStruct((_BATCH, _NCLS), jnp.float32),
    )(batched_data, feat_t, w1t, w2t, b2d)
    return out

# --- scband reference (transcript-rebuilt; emitter-appended) ---
"""Pipeline reference for scband-conditional-gnn-20435454395131 (READ-ONLY COPY).

The authoritative reference and input builder live on the scoring server;
editing this copy changes nothing except your own understanding.
"""

import jax, jax.numpy as jnp
import numpy as np

BATCH = 16384
EMB_DIM = 64
BACKEND_DIM = 128
NUM_DOMAIN = 100000
NUM_CLASS = 128


def setup_inputs(seed: int = 0) -> dict:
    key = jax.random.key(seed)
    k1, k2, k3, k4 = jax.random.split(key, 4)
    batched_data = jax.random.normal(k1, (BATCH, BACKEND_DIM), dtype=jnp.float32)
    domains = jax.random.randint(k2, (BATCH,), 0, NUM_DOMAIN, dtype=jnp.int32)
    # learned parameters
    class_emb = jnp.zeros((NUM_DOMAIN, EMB_DIM), dtype=jnp.float32)  # torch init is zeros; use small noise so grads flow distinctly
    class_emb = class_emb + 0.02 * jax.random.normal(k3, (NUM_DOMAIN, EMB_DIM), dtype=jnp.float32)
    fan_in = BACKEND_DIM + EMB_DIM
    bound = 1.0 / np.sqrt(fan_in)
    W = jax.random.uniform(k4, (NUM_CLASS, fan_in), minval=-bound, maxval=bound, dtype=jnp.float32)
    b = jnp.zeros((NUM_CLASS,), dtype=jnp.float32)
    return {"batched_data": batched_data, "class_emb": class_emb, "W": W, "b": b, "domains": domains}


def reference(batched_data, class_emb, W, b, domains):
    # torch.index_select(self.class_emb, 0, domains)
    domain_feat = jnp.take(class_emb, domains, axis=0)
    # backend is nn.Identity: graph_feat = backend(batched_data)
    graph_feat = batched_data
    cat = jnp.concatenate([graph_feat, domain_feat], axis=1)
    # predictor: Linear(backend_dim + emb_dim, num_class)
    result = jnp.dot(cat, W.T) + b
    return result

if __name__ == "__main__":
    import jax
    _d = setup_inputs()
    print(jax.jit(kernel)(*tuple(_d.values())))

</pallas_src>

<mosaic_0001>
#map = affine_map<(d0, d1) -> (0)>
#map1 = affine_map<(d0, d1) -> (0, 0)>
module attributes {stable_mosaic.version = 14 : i64} {
  func.func @gather_t(%arg0: i32, %arg1: i32, %arg2: memref<16384xi32, #tpu.memory_space<hbm>>, %arg3: memref<64x100000xf32, #tpu.memory_space<hbm>>, %arg4: memref<64x16384xf32, #tpu.memory_space<hbm>>, %arg5: memref<100000xf32, #tpu.memory_space<vmem>>, %arg6: memref<16384xi32, #tpu.memory_space<vmem>>, %arg7: memref<8192xf32, #tpu.memory_space<vmem>>) attributes {dimension_semantics = [#tpu.dimension_semantics<core_parallel>, #tpu.dimension_semantics<subcore_parallel>], iteration_bounds = array<i64: 2, 16>, scalar_prefetch = 0 : i64, scratch_operands = 3 : i64, tpu.core_type = #tpu.core_type<sc_vector_subcore>, window_params = [{transform_indices = #map}, {transform_indices = #map1}, {transform_indices = #map1}]} {
    %mul3A = arith.constant 2 : i32
    %mul3A_0 = arith.muli %arg1, %mul3A : i32
    %add3A = arith.addi %mul3A_0, %arg0 : i32
    "tpu.region"() ({
      %run_scoped3A = tpu.sem_alloc : memref<!tpu.dma_semaphore, #tpu.memory_space<semaphore_mem>>
      tpu.enqueue_dma source(%arg2 : memref<16384xi32, #tpu.memory_space<hbm>>) target(%arg6 : memref<16384xi32, #tpu.memory_space<vmem>>) target_semaphore(%run_scoped3A : memref<!tpu.dma_semaphore, #tpu.memory_space<semaphore_mem>>)
      tpu.wait_dma2 semaphore(%run_scoped3A : memref<!tpu.dma_semaphore, #tpu.memory_space<semaphore_mem>>) src(%arg2 : memref<16384xi32, #tpu.memory_space<hbm>>) dst(%arg6 : memref<16384xi32, #tpu.memory_space<vmem>>)
      tpu.yield
    }) : () -> ()
    %scan3A = arith.constant 0 : i32
    %scan3A_1 = arith.constant 0 : i32
    %scan3A_2 = arith.constant 2 : i32
    %scan3A_3 = arith.addi %scan3A_1, %scan3A_2 : i32
    %scan3A_4 = arith.constant 1 : i32
    %scan3A_5 = scf.for %scan3A_7 = %scan3A_1 to %scan3A_3 step %scan3A_4 iter_args(%scan3A_8 = %scan3A) -> (i32)  : i32 {
      %mul3A_9 = arith.constant 2 : i32
      %mul3A_10 = arith.muli %add3A, %mul3A_9 : i32
      %add3A_11 = arith.addi %mul3A_10, %scan3A_7 : i32
      "tpu.region"() ({
        %run_scoped3A = tpu.sem_alloc : memref<!tpu.dma_semaphore, #tpu.memory_space<semaphore_mem>>
        %dma_start3A = arith.constant 0 : i32
        %dma_start3A_20 = tpu.memref_slice %arg3[%add3A_11, %dma_start3A] : memref<64x100000xf32, #tpu.memory_space<hbm>> -> memref<1x100000xf32, #tpu.memory_space<hbm>>
        %dma_start3A_21 = tpu.memref_squeeze %dma_start3A_20 : memref<1x100000xf32, #tpu.memory_space<hbm>> -> memref<100000xf32, #tpu.memory_space<hbm>>
        %dma_start3A_22 = arith.constant 0 : i32
        %dma_start3A_23 = tpu.memref_slice %arg3[%add3A_11, %dma_start3A_22] : memref<64x100000xf32, #tpu.memory_space<hbm>> -> memref<1x100000xf32, #tpu.memory_space<hbm>>
        %dma_start3A_24 = tpu.memref_squeeze %dma_start3A_23 : memref<1x100000xf32, #tpu.memory_space<hbm>> -> memref<100000xf32, #tpu.memory_space<hbm>>
        tpu.enqueue_dma source(%dma_start3A_24 : memref<100000xf32, #tpu.memory_space<hbm>>) target(%arg5 : memref<100000xf32, #tpu.memory_space<vmem>>) target_semaphore(%run_scoped3A : memref<!tpu.dma_semaphore, #tpu.memory_space<semaphore_mem>>)
        %dma_wait3A = arith.constant 0 : i32
        %dma_wait3A_25 = tpu.memref_slice %arg3[%add3A_11, %dma_wait3A] : memref<64x100000xf32, #tpu.memory_space<hbm>> -> memref<1x100000xf32, #tpu.memory_space<hbm>>
        %dma_wait3A_26 = tpu.memref_squeeze %dma_wait3A_25 : memref<1x100000xf32, #tpu.memory_space<hbm>> -> memref<100000xf32, #tpu.memory_space<hbm>>
        %dma_wait3A_27 = arith.constant 0 : i32
        %dma_wait3A_28 = tpu.memref_slice %arg3[%add3A_11, %dma_wait3A_27] : memref<64x100000xf32, #tpu.memory_space<hbm>> -> memref<1x100000xf32, #tpu.memory_space<hbm>>
        %dma_wait3A_29 = tpu.memref_squeeze %dma_wait3A_28 : memref<1x100000xf32, #tpu.memory_space<hbm>> -> memref<100000xf32, #tpu.memory_space<hbm>>
        tpu.wait_dma2 semaphore(%run_scoped3A : memref<!tpu.dma_semaphore, #tpu.memory_space<semaphore_mem>>) src(%dma_wait3A_29 : memref<100000xf32, #tpu.memory_space<hbm>>) dst(%arg5 : memref<100000xf32, #tpu.memory_space<vmem>>)
        tpu.yield
      }) : () -> ()
      %scan3A_12 = arith.constant 0 : i32
      %scan3A_13 = arith.constant 0 : i32
      %scan3A_14 = arith.constant 2 : i32
      %scan3A_15 = arith.addi %scan3A_13, %scan3A_14 : i32
      %scan3A_16 = arith.constant 1 : i32
      %scan3A_17 = scf.for %scan3A_20 = %scan3A_13 to %scan3A_15 step %scan3A_16 iter_args(%scan3A_21 = %scan3A_12) -> (i32)  : i32 {
        %parallel_loop3A = arith.constant 0 : i32
        %parallel_loop3A_22 = arith.constant 8192 : i32
        %parallel_loop3A_23 = arith.constant 64 : i32
        scf.for %parallel_loop3A_27 = %parallel_loop3A to %parallel_loop3A_22 step %parallel_loop3A_23  : i32 {
          %parallel_loop3A_28 = arith.constant 8192 : i32
          %parallel_loop3A_29 = arith.muli %scan3A_20, %parallel_loop3A_28 : i32
          %parallel_loop3A_30 = arith.addi %parallel_loop3A_29, %parallel_loop3A_27 : i32
          %parallel_loop3A_31 = arith.constant 0 : i32
          %parallel_loop3A_32 = arith.addi %parallel_loop3A_30, %parallel_loop3A_31 : i32
          %parallel_loop3A_33 = arith.index_cast %parallel_loop3A_32 : i32 to index
          %parallel_loop3A_34 = tpu.vector_load %arg6[%parallel_loop3A_33] {strides = array<i32>} : memref<16384xi32, #tpu.memory_space<vmem>>, vector<16xi32>,
          %parallel_loop3A_35 = tpu.vector_load_idx %arg5[%parallel_loop3A_34] : memref<100000xf32, #tpu.memory_space<vmem>>[vector<16xi32>], vector<16xf32>,
          %parallel_loop3A_36 = arith.constant 0 : i32
          %parallel_loop3A_37 = arith.addi %parallel_loop3A_27, %parallel_loop3A_36 : i32
          %parallel_loop3A_38 = arith.index_cast %parallel_loop3A_37 : i32 to index
          %parallel_loop3A_39 = tpu.vector_load %arg7[%parallel_loop3A_38] {strides = array<i32>} : memref<8192xf32, #tpu.memory_space<vmem>>, vector<16xf32>,
          tpu.vector_store %arg7[%parallel_loop3A_38], %parallel_loop3A_35 {strides = array<i32>} : memref<8192xf32, #tpu.memory_space<vmem>>, vector<16xf32>,
          %parallel_loop3A_40 = arith.constant 8192 : i32
          %parallel_loop3A_41 = arith.muli %scan3A_20, %parallel_loop3A_40 : i32
          %parallel_loop3A_42 = arith.addi %parallel_loop3A_41, %parallel_loop3A_27 : i32
          %parallel_loop3A_43 = arith.constant 16 : i32
          %parallel_loop3A_44 = arith.addi %parallel_loop3A_42, %parallel_loop3A_43 : i32
          %parallel_loop3A_45 = arith.index_cast %parallel_loop3A_44 : i32 to index
          %parallel_loop3A_46 = tpu.vector_load %arg6[%parallel_loop3A_45] {strides = array<i32>} : memref<16384xi32, #tpu.memory_space<vmem>>, vector<16xi32>,
          %parallel_loop3A_47 = tpu.vector_load_idx %arg5[%parallel_loop3A_46] : memref<100000xf32, #tpu.memory_space<vmem>>[vector<16xi32>], vector<16xf32>,
          %parallel_loop3A_48 = arith.constant 16 : i32
          %parallel_loop3A_49 = arith.addi %parallel_loop3A_27, %parallel_loop3A_48 : i32
          %parallel_loop3A_50 = arith.index_cast %parallel_loop3A_49 : i32 to index
          %parallel_loop3A_51 = tpu.vector_load %arg7[%parallel_loop3A_50] {strides = array<i32>} : memref<8192xf32, #tpu.memory_space<vmem>>, vector<16xf32>,
          tpu.vector_store %arg7[%parallel_loop3A_50], %parallel_loop3A_47 {strides = array<i32>} : memref<8192xf32, #tpu.memory_space<vmem>>, vector<16xf32>,
          %parallel_loop3A_52 = arith.constant 8192 : i32
          %parallel_loop3A_53 = arith.muli %scan3A_20, %parallel_loop3A_52 : i32
          %parallel_loop3A_54 = arith.addi %parallel_loop3A_53, %parallel_loop3A_27 : i32
          %parallel_loop3A_55 = arith.constant 32 : i32
          %parallel_loop3A_56 = arith.addi %parallel_loop3A_54, %parallel_loop3A_55 : i32
          %parallel_loop3A_57 = arith.index_cast %parallel_loop3A_56 : i32 to index
          %parallel_loop3A_58 = tpu.vector_load %arg6[%parallel_loop3A_57] {strides = array<i32>} : memref<16384xi32, #tpu.memory_space<vmem>>, vector<16xi32>,
          %parallel_loop3A_59 = tpu.vector_load_idx %arg5[%parallel_loop3A_58] : memref<100000xf32, #tpu.memory_space<vmem>>[vector<16xi32>], vector<16xf32>,
          %parallel_loop3A_60 = arith.constant 32 : i32
          %parallel_loop3A_61 = arith.addi %parallel_loop3A_27, %parallel_loop3A_60 : i32
          %parallel_loop3A_62 = arith.index_cast %parallel_loop3A_61 : i32 to index
          %parallel_loop3A_63 = tpu.vector_load %arg7[%parallel_loop3A_62] {strides = array<i32>} : memref<8192xf32, #tpu.memory_space<vmem>>, vector<16xf32>,
          tpu.vector_store %arg7[%parallel_loop3A_62], %parallel_loop3A_59 {strides = array<i32>} : memref<8192xf32, #tpu.memory_space<vmem>>, vector<16xf32>,
          %parallel_loop3A_64 = arith.constant 8192 : i32
          %parallel_loop3A_65 = arith.muli %scan3A_20, %parallel_loop3A_64 : i32
          %parallel_loop3A_66 = arith.addi %parallel_loop3A_65, %parallel_loop3A_27 : i32
          %parallel_loop3A_67 = arith.constant 48 : i32
          %parallel_loop3A_68 = arith.addi %parallel_loop3A_66, %parallel_loop3A_67 : i32
          %parallel_loop3A_69 = arith.index_cast %parallel_loop3A_68 : i32 to index
          %parallel_loop3A_70 = tpu.vector_load %arg6[%parallel_loop3A_69] {strides = array<i32>} : memref<16384xi32, #tpu.memory_space<vmem>>, vector<16xi32>,
          %parallel_loop3A_71 = tpu.vector_load_idx %arg5[%parallel_loop3A_70] : memref<100000xf32, #tpu.memory_space<vmem>>[vector<16xi32>], vector<16xf32>,
          %parallel_loop3A_72 = arith.constant 48 : i32
          %parallel_loop3A_73 = arith.addi %parallel_loop3A_27, %parallel_loop3A_72 : i32
          %parallel_loop3A_74 = arith.index_cast %parallel_loop3A_73 : i32 to index
          %parallel_loop3A_75 = tpu.vector_load %arg7[%parallel_loop3A_74] {strides = array<i32>} : memref<8192xf32, #tpu.memory_space<vmem>>, vector<16xf32>,
          tpu.vector_store %arg7[%parallel_loop3A_74], %parallel_loop3A_71 {strides = array<i32>} : memref<8192xf32, #tpu.memory_space<vmem>>, vector<16xf32>,
        } {sc.loop_unroll_factor = 1 : i64, sc.parallel_access}
        %mul3A_24 = arith.constant 8192 : i32
        %mul3A_25 = arith.muli %scan3A_20, %mul3A_24 : i32
        "tpu.region"() ({
          %run_scoped3A = tpu.sem_alloc : memref<!tpu.dma_semaphore, #tpu.memory_space<semaphore_mem>>
          %dma_start3A = tpu.memref_slice %arg4[%add3A_11, %mul3A_25] : memref<64x16384xf32, #tpu.memory_space<hbm>> -> memref<1x8192xf32, #tpu.memory_space<hbm>>
          %dma_start3A_27 = tpu.memref_squeeze %dma_start3A : memref<1x8192xf32, #tpu.memory_space<hbm>> -> memref<8192xf32, #tpu.memory_space<hbm>>
          %dma_start3A_28 = tpu.memref_slice %arg4[%add3A_11, %mul3A_25] : memref<64x16384xf32, #tpu.memory_space<hbm>> -> memref<1x8192xf32, #tpu.memory_space<hbm>>
          %dma_start3A_29 = tpu.memref_squeeze %dma_start3A_28 : memref<1x8192xf32, #tpu.memory_space<hbm>> -> memref<8192xf32, #tpu.memory_space<hbm>>
          tpu.enqueue_dma source(%arg7 : memref<8192xf32, #tpu.memory_space<vmem>>) target(%dma_start3A_29 : memref<8192xf32, #tpu.memory_space<hbm>>) target_semaphore(%run_scoped3A : memref<!tpu.dma_semaphore, #tpu.memory_space<semaphore_mem>>)
          %dma_wait3A = tpu.memref_slice %arg4[%add3A_11, %mul3A_25] : memref<64x16384xf32, #tpu.memory_space<hbm>> -> memref<1x8192xf32, #tpu.memory_space<hbm>>
          %dma_wait3A_30 = tpu.memref_squeeze %dma_wait3A : memref<1x8192xf32, #tpu.memory_space<hbm>> -> memref<8192xf32, #tpu.memory_space<hbm>>
          %dma_wait3A_31 = tpu.memref_slice %arg4[%add3A_11, %mul3A_25] : memref<64x16384xf32, #tpu.memory_space<hbm>> -> memref<1x8192xf32, #tpu.memory_space<hbm>>
          %dma_wait3A_32 = tpu.memref_squeeze %dma_wait3A_31 : memref<1x8192xf32, #tpu.memory_space<hbm>> -> memref<8192xf32, #tpu.memory_space<hbm>>
          tpu.wait_dma2 semaphore(%run_scoped3A : memref<!tpu.dma_semaphore, #tpu.memory_space<semaphore_mem>>) src(%arg7 : memref<8192xf32, #tpu.memory_space<vmem>>) dst(%dma_wait3A_32 : memref<8192xf32, #tpu.memory_space<hbm>>)
          tpu.yield
        }) : () -> ()
        %scan3A_26 = arith.constant 0 : i32
        scf.yield %scan3A_26 : i32
      }
      %scan3A_18 = arith.constant 2 : i32
      %scan3A_19 = arith.constant 0 : i32
      scf.yield %scan3A_19 : i32
    }
    %scan3A_6 = arith.constant 2 : i32
    return
  }
}

module attributes {stable_mosaic.version = 14 : i64} {
  func.func @_mm_body(%arg0: i32, %arg1: memref<8192x128xf32, #tpu.memory_space<vmem>>, %arg2: memref<64x8192xf32, #tpu.memory_space<vmem>>, %arg3: memref<128x128xf32, #tpu.memory_space<vmem>>, %arg4: memref<64x128xf32, #tpu.memory_space<vmem>>, %arg5: memref<1x128xf32, #tpu.memory_space<vmem>>, %arg6: memref<8192x128xf32, #tpu.memory_space<vmem>>) attributes {dimension_semantics = [#tpu.dimension_semantics<arbitrary>], iteration_bounds = array<i64: 2>, scalar_prefetch = 0 : i64, scratch_operands = 0 : i64, tpu.core_type = #tpu.core_type<tc>, window_params = [{transform_indices = @transform_0, window_bounds = array<i64: 8192, 128>}, {transform_indices = @transform_1, window_bounds = array<i64: 64, 8192>}, {pipeline_mode = #tpu.pipeline_mode<synchronous>, transform_indices = @transform_2, window_bounds = array<i64: 128, 128>}, {pipeline_mode = #tpu.pipeline_mode<synchronous>, transform_indices = @transform_3, window_bounds = array<i64: 64, 128>}, {pipeline_mode = #tpu.pipeline_mode<synchronous>, transform_indices = @transform_4, window_bounds = array<i64: 1, 128>}, {transform_indices = @transform_5, window_bounds = array<i64: 8192, 128>}]} {
    %get3A = arith.constant 0 : index
    %get3A_0 = arith.constant 0 : index
    %get3A_1 = vector.load %arg1[%get3A, %get3A_0] : memref<8192x128xf32, #tpu.memory_space<vmem>>, vector<8192x128xf32>
    %convert_element_type3A = arith.truncf %get3A_1 : vector<8192x128xf32> to vector<8192x128xbf16>
    %get3A_2 = arith.constant 0 : index
    %get3A_3 = arith.constant 0 : index
    %get3A_4 = vector.load %arg2[%get3A_2, %get3A_3] : memref<64x8192xf32, #tpu.memory_space<vmem>>, vector<64x8192xf32>
    %convert_element_type3A_5 = arith.truncf %get3A_4 : vector<64x8192xf32> to vector<64x8192xbf16>
    %get3A_6 = arith.constant 0 : index
    %get3A_7 = arith.constant 0 : index
    %get3A_8 = vector.load %arg3[%get3A_6, %get3A_7] : memref<128x128xf32, #tpu.memory_space<vmem>>, vector<128x128xf32>
    %convert_element_type3A_9 = arith.truncf %get3A_8 : vector<128x128xf32> to vector<128x128xbf16>
    %dot_general3A = arith.constant dense<0.000000e+00> : vector<8192x128xf32>
    %dot_general3A_10 = tpu.matmul %convert_element_type3A, %convert_element_type3A_9, %dot_general3A {dimension_numbers = #tpu.dot_dimension_numbers<[1], [0], [0], [1], [0, 0, 1, 1], [], []>, transpose_lhs_hint = false} : vector<8192x128xbf16>, vector<128x128xbf16>, vector<8192x128xf32> -> vector<8192x128xf32>
    %get3A_11 = arith.constant 0 : index
    %get3A_12 = arith.constant 0 : index
    %get3A_13 = vector.load %arg4[%get3A_11, %get3A_12] : memref<64x128xf32, #tpu.memory_space<vmem>>, vector<64x128xf32>
    %convert_element_type3A_14 = arith.truncf %get3A_13 : vector<64x128xf32> to vector<64x128xbf16>
    %dot_general3A_15 = arith.constant dense<0.000000e+00> : vector<8192x128xf32>
    %dot_general3A_16 = tpu.matmul %convert_element_type3A_5, %convert_element_type3A_14, %dot_general3A_15 {dimension_numbers = #tpu.dot_dimension_numbers<[0], [0], [1], [1], [0, 1, 1, 1], [], []>, transpose_lhs_hint = false} : vector<64x8192xbf16>, vector<64x128xbf16>, vector<8192x128xf32> -> vector<8192x128xf32>
    %add3A = arith.addf %dot_general3A_10, %dot_general3A_16 : vector<8192x128xf32>
    %get3A_17 = arith.constant 0 : index
    %get3A_18 = arith.constant 0 : index
    %get3A_19 = vector.load %arg5[%get3A_17, %get3A_18] : memref<1x128xf32, #tpu.memory_space<vmem>>, vector<1x128xf32>
    %add3A_20 = vector.broadcast %get3A_19 : vector<1x128xf32> to vector<8192x128xf32>
    %add3A_21 = arith.addf %add3A, %add3A_20 : vector<8192x128xf32>
    %swap3A = arith.constant 0 : index
    %swap3A_22 = arith.constant 0 : index
    %swap3A_23 = vector.load %arg6[%swap3A, %swap3A_22] : memref<8192x128xf32, #tpu.memory_space<vmem>>, vector<8192x128xf32>
    tpu.vector_store %arg6[%swap3A, %swap3A_22], %add3A_21 {strides = array<i32>} : memref<8192x128xf32, #tpu.memory_space<vmem>>, vector<8192x128xf32>,
    return
  }
  func.func @transform_0(%arg0: i32) -> (i32, i32) {
    %c0_i32 = arith.constant 0 : i32
    %c0_i32_0 = arith.constant 0 : i32
    return %arg0, %c0_i32 : i32, i32
  }
  func.func @transform_1(%arg0: i32) -> (i32, i32) {
    %c0_i32 = arith.constant 0 : i32
    %c0_i32_0 = arith.constant 0 : i32
    return %c0_i32, %arg0 : i32, i32
  }
  func.func @transform_2(%arg0: i32) -> (i32, i32) {
    %c0_i32 = arith.constant 0 : i32
    %c0_i32_0 = arith.constant 0 : i32
    %c0_i32_1 = arith.constant 0 : i32
    return %c0_i32, %c0_i32_0 : i32, i32
  }
  func.func @transform_3(%arg0: i32) -> (i32, i32) {
    %c0_i32 = arith.constant 0 : i32
    %c0_i32_0 = arith.constant 0 : i32
    %c0_i32_1 = arith.constant 0 : i32
    return %c0_i32, %c0_i32_0 : i32, i32
  }
  func.func @transform_4(%arg0: i32) -> (i32, i32) {
    %c0_i32 = arith.constant 0 : i32
    %c0_i32_0 = arith.constant 0 : i32
    %c0_i32_1 = arith.constant 0 : i32
    return %c0_i32, %c0_i32_0 : i32, i32
  }
  func.func @transform_5(%arg0: i32) -> (i32, i32) {
    %c0_i32 = arith.constant 0 : i32
    %c0_i32_0 = arith.constant 0 : i32
    return %arg0, %c0_i32 : i32, i32
  }
}

</mosaic_0001>

<sc_bundles>
// kernel: kernel.4.cloned.1.call-start
scs
__scs_entry_jumppad:
0x0: {  	(pc) =	sbr.rel $0x88, $3  }
0x1: {  	(tag) =	ssettag $0x0;
	lr =	simm.s32 $0x1  }
0x2: {  	[smem:$0x3F9C] =	sst lr;
	_ =	strace $0xD0000000  }
0x3: {  	_ = 	snop  }
0x4: {  	_ = 	snop  }
0x5: {  	_ = 	snop  }
0x6: {  	_ = 	snop  }
0x7: {  	_ = 	snop  }
__scs_overlays_trampoline_lowered:
0x8: {  	[smem:$0x3FAB] =	sst s0  }
0x9: {  	[smem:$0x3FAC] =	sst s1  }
0xa: {  	[smem:$0x3FAD] =	sst s2  }
0xb: {  	[smem:$0x3FAE] =	sst s3  }
0xc: {  	[smem:$0x3FAF] =	sst s4  }
0xd: {  	[smem:$0x3FB0] =	sst s5  }
0xe: {  	[smem:$0x3FB1] =	sst s6  }
0xf: {  	[smem:$0x3FB2] =	sst s7  }
0x10: {  	[smem:$0x3FB3] =	sst s8  }
0x11: {  	[smem:$0x3FB4] =	sst s9;
	s0 =	simm.s32 @!p0 $0x0  }
0x12: {  	s1 =	sld [smem:$0x3F9A];
	s0 =	simm.s32 @p0 $0x1  }
0x13: {  	[smem:$0x3FB5] =	sst s0;
	s0 =	simm.s32 @!p1 $0x0  }
0x14: {  	s2 =	sld [smem:$0x3F99];
	s0 =	simm.s32 @p1 $0x1  }
0x15: {  	[smem:$0x3FB6] =	sst s0;
	s0 =	simm.s32 @!p2 $0x0  }
0x16: {  	s3 =	sld [smem:$0x3FDB];
	s0 =	simm.s32 @p2 $0x1  }
0x17: {  	s4 =	simm.s32 $0x1BF5;
	[smem:$0x3FB8] =	sst s0  }
0x18: {  	s0 =	sld [smem:$0x3F9B];
	_ =	swait.ge [sflag:s4], $0x0  }
0x19: {  	s7 =	sld [smem:$0x3F9C]  }
0x1a: {  	s8 =	sadd.s32 $0xFFFFE003, lr  }
0x1b: {  	s9 =	sadd.s32 $0xFFFFFEF7, lr;
	s5 =	simm.s32 $0xFFFFFFFF;
	p2 =	slt.u32 s8, $0xFFFFF086  }
0x1c: {  	p1 =	slt.u32 s9, $0xF7A;
	s5 =	simm.s32 @!p2 $0x0  }
0x1d: {  	s5 =	simm.s32 @p1 $0x1;
	p0 =	seq.s32 s7, s2  }
0x1e: {  	s7 =	smul.u32 @!p0 $0xF7A, s2;
	p2 =	seq.s32 @!p0 s5, $0x0  }
0x1f: {  	s9 =	smul.u32 $0xF7A, s1;
	s8 =	simm.s32 @!p0 $0x1BF5;
	p2 =	por !p2, p0  }
0x20: {  	[sflag:s8] =	ssyncset.s32 @!p0 $0xFFFFF086;
	s6 =	sadd.s32 @!p0 s3, s7;
	s7 =	simm.s32 @!p0 $0x108  }
0x21: {  	s3 =	sadd.s32 s3, s9;
	s6 =	sadd.s32 @!p0 $0x88, s6;
	s7 =	simm.s32 @p2 $0x1082  }
0x22: {  	[simem:s7], [sflag:s8] =	dma.local @!p0 [hbm:s6], $0xF7A  }
0x23: {  	s9 =	sor.u32 $0xD0000000, s2;
	s6 =	simm.s32 $0x108;
	_ =	swait.ge @!p0 [sflag:s8], $0x0  }
0x24: {  	s3 =	sadd.s32 $0x88, s3;
	s6 =	simm.s32 @!p1 $0x1082;
	[sflag:s4] =	ssyncset.s32 $0xFFFFF086  }
0x25: {  	[simem:s6], [sflag:s4] =	dma.local [hbm:s3], $0xF7A  }
0x26: {  	[smem:$0x3F9C] =	sst s1;
	(tag) =	ssettag s2;
	_ =	strace s9  }
0x27: {  	s1 =	sld [smem:$0x3FAC]  }
0x28: {  	s2 =	sld [smem:$0x3FAD]  }
0x29: {  	s4 =	sld [smem:$0x3FAF]  }
0x2a: {  	p0 =	seq.s32 s5, $0x0;
	s5 =	sld [smem:$0x3FB0]  }
0x2b: {  	s6 =	sld [smem:$0x3FB1]  }
0x2c: {  	s7 =	sld [smem:$0x3FB2]  }
0x2d: {  	s3 =	simm.s32 $0x108;
	s8 =	sld [smem:$0x3FB3]  }
0x2e: {  	s3 =	simm.s32 @!p0 $0x1082;
	s9 =	sld [smem:$0x3FB4]  }
0x2f: {  	lr =	sadd.s32 s0, s3;
	s0 =	sld [smem:$0x3FAB]  }
0x30: {  	s3 =	sld [smem:$0x3FAE]  }
0x31: {  	[smem:$0x3FB7] =	sst s10  }
0x32: {  	s10 =	sld [smem:$0x3FB5];
	_ =	sdelay $0x3  }
0x33: {  	p0 =	seq.s32 s10, $0x1;
	s10 =	sld [smem:$0x3FB7];
	_ =	sdelay $0x3  }
0x34: {  	[smem:$0x3FB7] =	sst s10  }
0x35: {  	s10 =	sld [smem:$0x3FB6];
	_ =	sdelay $0x3  }
0x36: {  	p1 =	seq.s32 s10, $0x1;
	s10 =	sld [smem:$0x3FB7];
	_ =	sdelay $0x3  }
0x37: {  	[smem:$0x3FB7] =	sst s10  }
0x38: {  	s10 =	sld [smem:$0x3FB8]  }
0x39: {  	_ = 	snop;
	(pc) =	sbr.ind lr, $3  }
0x3a: {  	_ = 	snop  }
0x3b: {  	_ = 	snop  }
0x3c: {  	p2 =	seq.s32 s10, $0x1;
	s10 =	sld [smem:$0x3FB7]  }
0x3d: {  	_ =	shalt  }
0x3e: {  	_ =	shalt  }
0x3f: {  	_ =	shalt  }
0x40: {  	_ =	shalt  }
0x41: {  	_ =	shalt  }
0x42: {  	_ =	shalt  }
0x43: {  	_ =	shalt  }
0x44: {  	_ =	shalt  }
0x45: {  	_ =	shalt  }
0x46: {  	_ =	shalt  }
0x47: {  	_ =	shalt  }
0x48: {  	_ =	shalt  }
0x49: {  	_ =	shalt  }
0x4a: {  	_ =	shalt  }
0x4b: {  	_ =	shalt  }
0x4c: {  	_ =	shalt  }
0x4d: {  	_ =	shalt  }
0x4e: {  	_ =	shalt  }
0x4f: {  	_ =	shalt  }
0x50: {  	_ =	shalt  }
0x51: {  	_ =	shalt  }
0x52: {  	_ =	shalt  }
0x53: {  	_ =	shalt  }
0x54: {  	_ =	shalt  }
0x55: {  	_ =	shalt  }
0x56: {  	_ =	shalt  }
0x57: {  	_ =	shalt  }
0x58: {  	_ =	shalt  }
0x59: {  	_ =	shalt  }
0x5a: {  	_ =	shalt  }
0x5b: {  	_ =	shalt  }
0x5c: {  	_ =	shalt  }
0x5d: {  	_ =	shalt  }
0x5e: {  	_ =	shalt  }
0x5f: {  	_ =	shalt  }
0x60: {  	_ =	shalt  }
0x61: {  	_ =	shalt  }
0x62: {  	_ =	shalt  }
0x63: {  	_ =	shalt  }
0x64: {  	_ =	shalt  }
0x65: {  	_ =	shalt  }
0x66: {  	_ =	shalt  }
0x67: {  	_ =	shalt  }
0x68: {  	_ =	shalt  }
0x69: {  	_ =	shalt  }
0x6a: {  	_ =	shalt  }
0x6b: {  	_ =	shalt  }
0x6c: {  	_ =	shalt  }
0x6d: {  	_ =	shalt  }
0x6e: {  	_ =	shalt  }
0x6f: {  	_ =	shalt  }
0x70: {  	_ =	shalt  }
0x71: {  	_ =	shalt  }
0x72: {  	_ =	shalt  }
0x73: {  	_ =	shalt  }
0x74: {  	_ =	shalt  }
0x75: {  	_ =	shalt  }
0x76: {  	_ =	shalt  }
0x77: {  	_ =	shalt  }
0x78: {  	_ =	shalt  }
0x79: {  	_ =	shalt  }
0x7a: {  	_ =	shalt  }
0x7b: {  	_ =	shalt  }
0x7c: {  	_ =	shalt  }
0x7d: {  	_ =	shalt  }
0x7e: {  	_ =	shalt  }
0x7f: {  	_ =	shalt  }
0x80: {  	_ =	shalt  }
0x81: {  	_ =	shalt  }
0x82: {  	_ =	shalt  }
0x83: {  	_ =	shalt  }
0x84: {  	_ =	shalt  }
0x85: {  	_ =	shalt  }
0x86: {  	_ =	shalt  }
0x87: {  	_ =	shalt  }
.Lfunc_end0:
.L_simem_size_0:
called_computation_lowered:
.L_overlay_start_0:
0x88: {  	s2 =	sld [smem:$0x3FD9]  }
0x89: {  	s3 =	sld [smem:$0x3FFE];
	_ =	sdelay $0x1  }
0x8a: {  	s1 =	srdreg.scid  }
0x8b: {  	s0 =	sand.u32 $0x1, s1  }
0x8c: {  	s18 =	sshll.u32 s0, $0xA;
	s2 =	sadd.s32 s3, s2  }
0x8d: {  	s2 =	sadd.s32 s2, s18  }
0x8e: {  	[smem:$0x3FC3] =	sst s2  }
0x8f: {  	_ = 	snop  }
0x90: {  	s2 =	sld [smem:$0x3FC8]  }
0x91: {  	s19 =	sld [smem:$0x3FC5]  }
0x92: {  	s4 =	sld [smem:$0x3FD0];
	(tm) =	ssettm $0x1  }
0x93: {  	s5 =	sld [smem:$0x3FFB];
	_ =	sdelay $0x3  }
0x94: {  	_ =	strace s5  }
0x95: {  	s5 =	sld [smem:$0x3FFC];
	_ =	sdelay $0x3  }
0x96: {  	_ =	strace s5  }
0x97: {  	s5 =	sld [smem:$0x3FFD];
	_ =	sdelay $0x3  }
0x98: {  	_ =	strace s5  }
0x99: {  	_ =	strace $0x8FFFFFFF  }
0x9a: {  	s20 =	sld [smem:$0x3FDB];
	_ =	sdelay $0x1  }
0x9b: {  	s6 =	simm.s32 $_scs_section_size  }
0x9c: {  	s7 =	simm.s32 $_size__tile_overlayer_lowered;
	s8 =	simm.s32 $_tile_overlayer_lowered  }
0x9d: {  	s23 =	simm.s32 $0x1BFF;
	s22 =	sshll.u32 s8, $0x1;
	s5 =	sadd.s32 s6, s20  }
0x9e: {  	s9 =	simm.s32 $0x0;
	s21 =	sshll.u32 s7, $0x1;
	s7 =	sadd.s32 s22, s5  }
0x9f: {  	[timem:s9], [sflag:s23] =	dma.local [hbm:s7], s21  }
0xa0: {  	_ =	swait.ge [sflag:s23], s21  }
0xa1: {  	s6 =	ssub.s32 $0x0, s21;
	[sflag:s23] =	ssyncset.done $0x0  }
0xa2: {  	[sflag:s23] =	ssyncadd.s32 s6;
	_ =	sdelay $0x1  }
0xa3: {  	s24 =	simm.s32 $0x1B8B  }
0xa4: {  	_ =	swait.ge [sflag:s24], $0x1  }
0xa5: {  	[sflag:s24] =	ssyncset.done $0x0  }
0xa6: {  	s25 =	simm.s32 $0x1B8E;
	[sflag:s24] =	ssyncadd.s32 $0xFFFFFFFF  }
0xa7: {  	s26 =	simm.s32 $execute0_lowered;
	[smem:$0x3FD2] =	sst s25  }
0xa8: {  	s6 =	sshll.u32 s26, $0x1;
	_ =	strace $0x80000046;
	[dreg:$0x1] =	wrdreg $0xFFFFFFFF  }
0xa9: {  	s28 =	simm.s32 $_size_execute0_lowered;
	s5 =	sadd.s32 s5, s6;
	[dreg:$0x0] =	wrdreg $0x0  }
0xaa: {  	s6 =	sshll.u32 s28, $0x1;
	[dreg:$0x2] =	wrdreg s5  }
0xab: {  	[dreg:$0x3] =	wrdreg s6  }
0xac: {  	[dreg:$0x4] =	wrdreg $0xC0  }
0xad: {  	_ =	task [dreg:s9], $0x5FFFF  }
0xae: {  	[dreg:$0x1] =	wrdreg $0xFFFFFFFF  }
0xaf: {  	[dreg:$0x0] =	wrdreg $0x60  }
0xb0: {  	[dreg:$0x2] =	wrdreg s19  }
0xb1: {  	[dreg:$0x3] =	wrdreg s2  }
0xb2: {  	[dreg:$0x4] =	wrdreg s4  }
0xb3: {  	[dreg:$0x5] =	wrdreg $0x9  }
0xb4: {  	_ =	task.clear_ibuf [dreg:s9], $0x6FFFF;
	_ =	strace $0x90000046  }
0xb5: {  	s29 =	simm.s32 $0x9;
	_ =	strace $0x80000048  }
0xb6: {  	_ =	swait.ge [sflag:s29], $0x1  }
0xb7: {  	[sflag:s29] =	ssyncadd.s32 $0xFFFFFFFF  }
0xb8: {  	_ =	strace $0x90000048  }
0xb9: {  	_ =	sfence  }
0xba: {  	s30 =	sld [smem:$0x0];
	_ =	sdelay $0x2  }
0xbb: {  	s31 =	sshll.u32 s1, $0xD;
	s1 =	sshrl.u32 s1, $0x2  }
0xbc: {  	s3 =	sand.u32 $0x4000, s31;
	s1 =	sadd.s32 s1, s30  }
0xbd: {  	s0 =	sor.u32 s3, s0;
	s1 =	sshll.u32 s1, $0x11  }
0xbe: {  	s0 =	sor.u32 s1, s0  }
0xbf: {  	s0 =	sadd.s32 $0x8F2B, s0  }
0xc0: {  	[sflag:s0] =	ssyncadd.remote.s32 $0x1  }
0xc1: {  	_ =	sfence.sel $0xFFFF  }
0xc2: {  	[dreg:$0x0] =	wrdreg $0xFFFFFFFF;
	(pc) =	sbr.abs _section_cstart, $3  }
0xc3: {  	[dreg:$0x1] =	wrdreg $0xFFFFFFFF  }
0xc4: {  	_ =	task.clear_ibuf [dreg:s9], $0x2FFFF;
	_ =	strace $0x9FFFFFFF  }
0xc5: {  	(tm) =	ssettm $0x7FFFFFFF  }
tec
execute0_lowered:
.L_overlay_start_1:
0x0: {  	(tag) =	ssettag $0x1  }
0x1: {  	s2 =	rddreg [dreg:$0x1]  }
0x2: {  	s3 =	rddreg [dreg:$0x2];
	s0 =	srdreg.scid  }
0x3: {  	s4 =	simm.s32 $0x0;
	s1 =	stileid.u32;
	s11 =	simm.s32 $0x1  }
0x4: {  	s12 =	simm.s32 $0x80;
	s13 =	simm.s32 $0x400;
	s14 =	simm.s32 $0x1C700  }
0x5: {  	s15 =	simm.s32 $0x0;
	s0 =	sand.u32 $0x1, s0;
	[smem:$0x7FF] =	sst s4  }
0x6: {  	s7 =	sshll.u32 s1, $0x9;
	s8 =	sshrl.u32 s1, $0x1;
	s5 =	ssub.s32 $0x2, s0  }
0x7: {  	_ =	strace $0x80000047;
	s0 =	sshll.u32 s0, $0x8;
	s6 =	sshrl.u32 s5, $0x1  }
0x8: {  	s9 =	sand.u32 $0x200, s7;
	s7 =	sshll.u32 s8, $0x11;
	s5 =	ssub.s32 s5, s6  }
0x9: {  	s9 =	sor.u32 s0, s9;
	s6 =	smul.u32 $0xC3800, s8;
	s8 =	smax.u32 s5, $0x1  }
.LBB2_1:
0xa: {  	s0 =	rddreg [dreg:$0x0];
	s1 =	simm.s32 $0x18700  }
0xb: {  	[tilespmem:s1], [sflag:$0x1] =	stream.linear.gather [hbm4b:s0+s4], $0x4000, $0x38;
	[tilespmem:$0x1E700] =	vst v63  }
0xc: {  	_ =	swait.ge [sflag:s11], $0x4000  }
0xd: {  	[sflag:s11] =	ssyncset.done $0x0  }
0xe: {  	p1 =	por $0x1, $0x1;
	s0 =	simm.s32 $0x0;
	[sflag:s11] =	ssyncadd.s32 $0xFFFFC000  }
.LBB2_2:
0xf: {  	s24 =	sor.u32 s9, s0  }
0x10: {  	s0 =	sor.u32 s6, s24  }
0x11: {  	s0 =	sshrl.u32 s0, $0x3  }
0x12: {  	s0 =	sadd.s32 s2, s0  }
0x13: {  	[tilespmem:s4], [sflag:$0x1] =	stream.strided.gather [hbm4b:s0+s12], $0x18700, s13, s12, $0x38;
	[tilespmem:$0x1E700] =	vst v63  }
0x14: {  	_ =	swait.ge [sflag:s11], $0x18700  }
0x15: {  	s25 =	simm.s32 $0x0;
	[sflag:s11] =	ssyncset.done $0x0  }
0x16: {  	s0 =	sand.u32 $0x1FC0, s25;
	[sflag:s11] =	ssyncadd.s32 $0xFFFE7900  }
0x17: {  	v0 =	vld [tilespmem:s0+$0x18700];
	_ =	sdelay $0x2  }
0x18: {  	s5 =	simm.s32 $0x40  }
0x19: {  	s5 =	sand.u32 $0x1FC0, s5  }
0x1a: {  	v1 =	vld [tilespmem:s5+$0x18700];
	_ =	sdelay $0x2  }
0x1b: {  	s16 =	simm.s32 $0x80;
	v0 =	vld.idx.msk [tilespmem:v0+s4+$0x0], $0xffff  }
0x1c: {  	s19 =	sand.u32 $0x1FC0, s16  }
0x1d: {  	v2 =	vld [tilespmem:s19+$0x18700];
	_ =	sdelay $0x1  }
0x1e: {  	s16 =	simm.s32 $0x1C720  }
0x1f: {  	s17 =	simm.s32 $0xC0;
	s0 =	sadd.s32 $0x18700, s0;
	v1 =	vld.idx.msk [tilespmem:v1+s4+$0x0], $0xffff;
	[tilespmem:s16+$0xFFFFFFE0] =	vst v0  }
0x20: {  	s20 =	sand.u32 $0x1FC0, s17;
	v0 =	vld [tilespmem:s0+$0x10]  }
0x21: {  	v3 =	vld [tilespmem:s20+$0x18700];
	_ =	sdelay $0x1  }
0x22: {  	s17 =	simm.s32 $0x1C760  }
0x23: {  	s5 =	sadd.s32 $0x18700, s5;
	[tilespmem:s17+$0xFFFFFFE0] =	vst v1;
	v1 =	vld.idx.msk [tilespmem:v2+s4+$0x0], $0xffff  }
0x24: {  	s18 =	simm.s32 $0x100;
	v2 =	vld [tilespmem:s5+$0x10]  }
0x25: {  	s22 =	sand.u32 $0x1FC0, s18  }
0x26: {  	v4 =	vld [tilespmem:s22+$0x18700]  }
0x27: {  	s18 =	simm.s32 $0x1C7A0;
	v0 =	vld.idx.msk [tilespmem:v0+s4+$0x0], $0xffff  }
0x28: {  	s25 =	sadd.s32 $0x18700, s19;
	v3 =	vld.idx.msk [tilespmem:v3+s4+$0x0], $0xffff;
	[tilespmem:s18+$0xFFFFFFE0] =	vst v1  }
0x29: {  	v1 =	vld [tilespmem:s25+$0x10];
	_ =	sdelay $0x2  }
0x2a: {  	v2 =	vld.idx.msk [tilespmem:v2+s4+$0x0], $0xffff;
	[tilespmem:s16+$0xFFFFFFF0] =	vst v0  }
0x2b: {  	s26 =	simm.s32 $0x140;
	s19 =	simm.s32 $0x1C7E0;
	v0 =	vld [tilespmem:s0+$0x20]  }
0x2c: {  	s26 =	sand.u32 $0x1FC0, s26;
	[tilespmem:s19+$0xFFFFFFE0] =	vst v3;
	v3 =	vld.idx.msk [tilespmem:v4+s4+$0x0], $0xffff  }
0x2d: {  	s21 =	sadd.s32 $0x18700, s20;
	v5 =	vld [tilespmem:s26+$0x18700]  }
0x2e: {  	v4 =	vld [tilespmem:s21+$0x10]  }
0x2f: {  	s1 =	simm.s32 $0x180;
	[tilespmem:s17+$0xFFFFFFF0] =	vst v2;
	v1 =	vld.idx.msk [tilespmem:v1+s4+$0x0], $0xffff  }
0x30: {  	s28 =	sand.u32 $0x1FC0, s1;
	s20 =	simm.s32 $0x1C820;
	v2 =	vld [tilespmem:s5+$0x20]  }
0x31: {  	s23 =	sadd.s32 $0x18700, s22;
	v6 =	vld [tilespmem:s28+$0x18700];
	[tilespmem:s20+$0xFFFFFFE0] =	vst v3  }
0x32: {  	s10 =	simm.s32 $0x1C0;
	v3 =	vld [tilespmem:s23+$0x10]  }
0x33: {  	s30 =	sand.u32 $0x1FC0, s10;
	v0 =	vld.idx.msk [tilespmem:v0+s4+$0x0], $0xffff  }
0x34: {  	v9 =	vld [tilespmem:s30+$0x18700]  }
0x35: {  	v5 =	vld.idx.msk [tilespmem:v5+s4+$0x0], $0xffff;
	[tilespmem:s18+$0xFFFFFFF0] =	vst v1  }
0x36: {  	v7 =	vld [tilespmem:s25+$0x20]  }
0x37: {  	v1 =	vld.idx.msk [tilespmem:v4+s4+$0x0], $0xffff  }
0x38: {  	v8 =	vld.idx.msk [tilespmem:v2+s4+$0x0], $0xffff;
	[tilespmem:s16+$0x0] =	vst v0  }
0x39: {  	s22 =	simm.s32 $0x1C860;
	v0 =	vld [tilespmem:s0+$0x30]  }
0x3a: {  	[tilespmem:s22+$0xFFFFFFE0] =	vst v5;
	v5 =	vld.idx.msk [tilespmem:v6+s4+$0x0], $0xffff  }
0x3b: {  	s26 =	sadd.s32 $0x18700, s26;
	v10 =	vld.idx.msk [tilespmem:v3+s4+$0x0], $0xffff  }
0x3c: {  	v4 =	vld [tilespmem:s26+$0x10];
	[tilespmem:s19+$0xFFFFFFF0] =	vst v1  }
0x3d: {  	v2 =	vld [tilespmem:s21+$0x20]  }
0x3e: {  	[tilespmem:s17+$0x0] =	vst v8;
	v3 =	vld.idx.msk [tilespmem:v7+s4+$0x0], $0xffff;
	s0 =	simm.s32 $0x200  }
0x3f: {  	v1 =	vld [tilespmem:s5+$0x30];
	s31 =	sand.u32 $0x1FC0, s0  }
0x40: {  	s5 =	simm.s32 $0x1C8A0;
	v8 =	vld [tilespmem:s31+$0x18700]  }
0x41: {  	s29 =	sadd.s32 $0x18700, s28;
	[tilespmem:s5+$0xFFFFFFE0] =	vst v5;
	v0 =	vld.idx.msk [tilespmem:v0+s4+$0x0], $0xffff  }
0x42: {  	v6 =	vld [tilespmem:s29+$0x10]  }
0x43: {  	[tilespmem:s20+$0xFFFFFFF0] =	vst v10;
	v7 =	vld.idx.msk [tilespmem:v9+s4+$0x0], $0xffff  }
0x44: {  	p0 =	por p1, p1;
	s24 =	sor.u32 s24, s7;
	s28 =	simm.s32 $0x1C8A0;
	v5 =	vld [tilespmem:s23+$0x20]  }
.LBB2_3:
0x45: {  	s0 =	sadd.s32 $0x40, s0;
	v9 =	vld.idx.msk [tilespmem:v4+s4+$0x0], $0xffff;
	[tilespmem:s18+$0x0] =	vst v3  }
0x46: {  	s1 =	sand.u32 $0x1FC0, s0;
	p1 =	slt.u32 s0, $0x1FC0;
	v10 =	vld [tilespmem:s25+$0x30];
	[tilespmem:s16+$0x10] =	vst v0;
	v11 =	vmov v8;
	s16 =	smov.u32 s17  }
0x47: {  	s5 =	sadd.s32 $0x40, s5;
	s17 =	smov.u32 s18;
	s18 =	smov.u32 s19;
	v3 =	vld.idx.msk [tilespmem:v2+s4+$0x0], $0xffff;
	v4 =	vmov v6  }
.Ltmp0:
0x48: {  	s19 =	smov.u32 s20;
	s20 =	smov.u32 s22;
	v0 =	vld.idx.msk [tilespmem:v1+s4+$0x0], $0xffff;
	(pc) =	sbr.rel @p1 .LBB2_3-.Ltmp0, $4  }
0x49: {  	s10 =	sadd.s32 $0x18700, s30;
	s30 =	smov.u32 s31;
	s31 =	smov.u32 s1;
	v8 =	vld [tilespmem:s1+$0x18700];
	[tilespmem:s5+$0xFFFFFFE0] =	vst v7;
	v2 =	vmov v5  }
0x4a: {  	s22 =	smov.u32 s28;
	s28 =	smov.u32 s5;
	s25 =	smov.u32 s21;
	v6 =	vld [tilespmem:s10+$0x10]  }
0x4b: {  	s21 =	smov.u32 s23;
	s23 =	smov.u32 s26;
	s26 =	smov.u32 s29;
	v7 =	vld.idx.msk [tilespmem:v11+s4+$0x0], $0xffff;
	[tilespmem:s20+$0xFFFFFFF0] =	vst v9;
	v1 =	vmov v10  }
0x4c: {  	s29 =	smov.u32 s10;
	v5 =	vld [tilespmem:s23+$0x20]  }
0x4d: {  	_ =	sdelay $0x4  }
0x4e: {  	v8 =	vld.idx.msk [tilespmem:v8+s4+$0x0], $0xffff;
	_ =	sdelay $0x2  }
0x4f: {  	s0 =	sadd.s32 $0x40, s5  }
0x50: {  	s1 =	sadd.s32 $0x18700, s30;
	s5 =	sadd.s32 $0x40, s0;
	[tilespmem:s0+$0xFFFFFFE0] =	vst v7  }
0x51: {  	s10 =	sadd.s32 $0x18700, s31;
	v7 =	vld [tilespmem:s1+$0x10];
	[tilespmem:s5+$0xFFFFFFE0] =	vst v8  }
0x52: {  	v8 =	vld [tilespmem:s10+$0x10];
	_ =	sdelay $0x3  }
0x53: {  	v4 =	vld.idx.msk [tilespmem:v4+s4+$0x0], $0xffff  }
0x54: {  	v6 =	vld.idx.msk [tilespmem:v6+s4+$0x0], $0xffff;
	_ =	sdelay $0x1  }
0x55: {  	v7 =	vld.idx.msk [tilespmem:v7+s4+$0x0], $0xffff  }
0x56: {  	v8 =	vld.idx.msk [tilespmem:v8+s4+$0x0], $0xffff  }
0x57: {  	[tilespmem:s22+$0xFFFFFFF0] =	vst v4  }
0x58: {  	v4 =	vld [tilespmem:s26+$0x20];
	[tilespmem:s28+$0xFFFFFFF0] =	vst v6  }
0x59: {  	v6 =	vld [tilespmem:s29+$0x20]  }
0x5a: {  	[tilespmem:s0+$0xFFFFFFF0] =	vst v7  }
0x5b: {  	v7 =	vld [tilespmem:s1+$0x20];
	[tilespmem:s5+$0xFFFFFFF0] =	vst v8  }
0x5c: {  	v8 =	vld [tilespmem:s10+$0x20]  }
0x5d: {  	v2 =	vld.idx.msk [tilespmem:v2+s4+$0x0], $0xffff  }
0x5e: {  	v1 =	vld.idx.msk [tilespmem:v1+s4+$0x0], $0xffff  }
0x5f: {  	v5 =	vld.idx.msk [tilespmem:v5+s4+$0x0], $0xffff  }
0x60: {  	v4 =	vld.idx.msk [tilespmem:v4+s4+$0x0], $0xffff  }
0x61: {  	[tilespmem:s18+$0x0] =	vst v3;
	v6 =	vld.idx.msk [tilespmem:v6+s4+$0x0], $0xffff  }
0x62: {  	v3 =	vld [tilespmem:s25+$0x30]  }
0x63: {  	[tilespmem:s19+$0x0] =	vst v2;
	v7 =	vld.idx.msk [tilespmem:v7+s4+$0x0], $0xffff  }
0x64: {  	[tilespmem:s20+$0x0] =	vst v5;
	v2 =	vld.idx.msk [tilespmem:v8+s4+$0x0], $0xffff  }
0x65: {  	v5 =	vld [tilespmem:s23+$0x30];
	[tilespmem:s22+$0x0] =	vst v4  }
0x66: {  	v4 =	vld [tilespmem:s26+$0x30];
	[tilespmem:s28+$0x0] =	vst v6  }
0x67: {  	v6 =	vld [tilespmem:s29+$0x30]  }
0x68: {  	v8 =	vld [tilespmem:s21+$0x30];
	[tilespmem:s0+$0x0] =	vst v7  }
0x69: {  	v7 =	vld [tilespmem:s1+$0x30];
	[tilespmem:s5+$0x0] =	vst v2  }
0x6a: {  	v2 =	vld [tilespmem:s10+$0x30];
	_ =	sdelay $0x1  }
0x6b: {  	v3 =	vld.idx.msk [tilespmem:v3+s4+$0x0], $0xffff  }
0x6c: {  	v5 =	vld.idx.msk [tilespmem:v5+s4+$0x0], $0xffff  }
0x6d: {  	[tilespmem:s16+$0x10] =	vst v0;
	v0 =	vld.idx.msk [tilespmem:v4+s4+$0x0], $0xffff  }
0x6e: {  	[tilespmem:s17+$0x10] =	vst v1;
	v1 =	vld.idx.msk [tilespmem:v6+s4+$0x0], $0xffff  }
0x6f: {  	v8 =	vld.idx.msk [tilespmem:v8+s4+$0x0], $0xffff  }
0x70: {  	[tilespmem:s18+$0x10] =	vst v3;
	v3 =	vld.idx.msk [tilespmem:v7+s4+$0x0], $0xffff  }
0x71: {  	[tilespmem:s20+$0x10] =	vst v5;
	v2 =	vld.idx.msk [tilespmem:v2+s4+$0x0], $0xffff  }
0x72: {  	[tilespmem:s22+$0x10] =	vst v0  }
0x73: {  	[tilespmem:s28+$0x10] =	vst v1  }
0x74: {  	[tilespmem:s19+$0x10] =	vst v8  }
0x75: {  	s16 =	sshrl.u32 s24, $0x3;
	[tilespmem:s0+$0x10] =	vst v3  }
0x76: {  	s20 =	sadd.s32 s3, s16;
	[tilespmem:s5+$0x10] =	vst v2  }
0x77: {  	[hbm4b:s20+s12] =	stream.strided.scatter [tilespmem:s14], [sflag:$0x1], $0x2000, s13, s12, $0x38;
	[tilespmem:$0x1E700] =	vst v63  }
0x78: {  	_ =	swait.ge [sflag:s11], $0x2000  }
0x79: {  	s21 =	simm.s32 $0x0;
	[sflag:s11] =	ssyncset.done $0x0  }
0x7a: {  	s0 =	sand.u32 $0x1FC0, s21;
	[sflag:s11] =	ssyncadd.s32 $0xFFFFE000  }
0x7b: {  	v0 =	vld [tilespmem:s0+$0x1A700];
	_ =	sdelay $0x2  }
0x7c: {  	s22 =	simm.s32 $0x40  }
0x7d: {  	s1 =	sand.u32 $0x1FC0, s22  }
0x7e: {  	v1 =	vld [tilespmem:s1+$0x1A700];
	_ =	sdelay $0x2  }
0x7f: {  	s23 =	simm.s32 $0x80;
	v0 =	vld.idx.msk [tilespmem:v0+s4+$0x0], $0xffff  }
0x80: {  	s5 =	sand.u32 $0x1FC0, s23  }
0x81: {  	v2 =	vld [tilespmem:s5+$0x1A700];
	_ =	sdelay $0x1  }
0x82: {  	s17 =	simm.s32 $0x1C720  }
0x83: {  	s24 =	simm.s32 $0xC0;
	s0 =	sadd.s32 $0x1A700, s0;
	v1 =	vld.idx.msk [tilespmem:v1+s4+$0x0], $0xffff;
	[tilespmem:s17+$0xFFFFFFE0] =	vst v0  }
0x84: {  	s10 =	sand.u32 $0x1FC0, s24;
	v0 =	vld [tilespmem:s0+$0x10]  }
0x85: {  	v3 =	vld [tilespmem:s10+$0x1A700];
	_ =	sdelay $0x1  }
0x86: {  	s18 =	simm.s32 $0x1C760  }
0x87: {  	s1 =	sadd.s32 $0x1A700, s1;
	[tilespmem:s18+$0xFFFFFFE0] =	vst v1;
	v1 =	vld.idx.msk [tilespmem:v2+s4+$0x0], $0xffff  }
0x88: {  	s25 =	simm.s32 $0x100;
	v2 =	vld [tilespmem:s1+$0x10]  }
0x89: {  	s26 =	sand.u32 $0x1FC0, s25  }
0x8a: {  	v4 =	vld [tilespmem:s26+$0x1A700]  }
0x8b: {  	s19 =	simm.s32 $0x1C7A0;
	v0 =	vld.idx.msk [tilespmem:v0+s4+$0x0], $0xffff  }
0x8c: {  	s25 =	sadd.s32 $0x1A700, s5;
	v3 =	vld.idx.msk [tilespmem:v3+s4+$0x0], $0xffff;
	[tilespmem:s19+$0xFFFFFFE0] =	vst v1  }
0x8d: {  	v1 =	vld [tilespmem:s25+$0x10];
	_ =	sdelay $0x2  }
0x8e: {  	v2 =	vld.idx.msk [tilespmem:v2+s4+$0x0], $0xffff;
	[tilespmem:s17+$0xFFFFFFF0] =	vst v0  }
0x8f: {  	s22 =	simm.s32 $0x140;
	s20 =	simm.s32 $0x1C7E0;
	v0 =	vld [tilespmem:s0+$0x20]  }
0x90: {  	s5 =	sand.u32 $0x1FC0, s22;
	[tilespmem:s20+$0xFFFFFFE0] =	vst v3;
	v3 =	vld.idx.msk [tilespmem:v4+s4+$0x0], $0xffff  }
0x91: {  	s22 =	sadd.s32 $0x1A700, s10;
	v5 =	vld [tilespmem:s5+$0x1A700]  }
0x92: {  	v4 =	vld [tilespmem:s22+$0x10]  }
0x93: {  	s24 =	simm.s32 $0x180;
	[tilespmem:s18+$0xFFFFFFF0] =	vst v2;
	v1 =	vld.idx.msk [tilespmem:v1+s4+$0x0], $0xffff  }
0x94: {  	s21 =	simm.s32 $0x1C820;
	s10 =	sand.u32 $0x1FC0, s24;
	v2 =	vld [tilespmem:s1+$0x20]  }
0x95: {  	s24 =	sadd.s32 $0x1A700, s26;
	v6 =	vld [tilespmem:s10+$0x1A700];
	[tilespmem:s21+$0xFFFFFFE0] =	vst v3  }
0x96: {  	s26 =	simm.s32 $0x1C0;
	v3 =	vld [tilespmem:s24+$0x10]  }
0x97: {  	s30 =	sand.u32 $0x1FC0, s26;
	v0 =	vld.idx.msk [tilespmem:v0+s4+$0x0], $0xffff  }
0x98: {  	v9 =	vld [tilespmem:s30+$0x1A700]  }
0x99: {  	v5 =	vld.idx.msk [tilespmem:v5+s4+$0x0], $0xffff;
	[tilespmem:s19+$0xFFFFFFF0] =	vst v1  }
0x9a: {  	v7 =	vld [tilespmem:s25+$0x20]  }
0x9b: {  	v1 =	vld.idx.msk [tilespmem:v4+s4+$0x0], $0xffff  }
0x9c: {  	v8 =	vld.idx.msk [tilespmem:v2+s4+$0x0], $0xffff;
	[tilespmem:s17+$0x0] =	vst v0  }
0x9d: {  	s23 =	simm.s32 $0x1C860;
	v0 =	vld [tilespmem:s0+$0x30]  }
0x9e: {  	[tilespmem:s23+$0xFFFFFFE0] =	vst v5;
	v5 =	vld.idx.msk [tilespmem:v6+s4+$0x0], $0xffff  }
0x9f: {  	s28 =	sadd.s32 $0x1A700, s5;
	v10 =	vld.idx.msk [tilespmem:v3+s4+$0x0], $0xffff  }
0xa0: {  	v4 =	vld [tilespmem:s28+$0x10];
	[tilespmem:s20+$0xFFFFFFF0] =	vst v1  }
0xa1: {  	v2 =	vld [tilespmem:s22+$0x20]  }
0xa2: {  	[tilespmem:s18+$0x0] =	vst v8;
	v3 =	vld.idx.msk [tilespmem:v7+s4+$0x0], $0xffff;
	s0 =	simm.s32 $0x200  }
0xa3: {  	v1 =	vld [tilespmem:s1+$0x30];
	s31 =	sand.u32 $0x1FC0, s0  }
0xa4: {  	s5 =	simm.s32 $0x1C8A0;
	v8 =	vld [tilespmem:s31+$0x1A700]  }
0xa5: {  	s29 =	sadd.s32 $0x1A700, s10;
	[tilespmem:s5+$0xFFFFFFE0] =	vst v5;
	v0 =	vld.idx.msk [tilespmem:v0+s4+$0x0], $0xffff  }
0xa6: {  	v6 =	vld [tilespmem:s29+$0x10];
	[tilespmem:s21+$0xFFFFFFF0] =	vst v10  }
0xa7: {  	v5 =	vld [tilespmem:s24+$0x20]  }
0xa8: {  	s26 =	simm.s32 $0x1C8A0;
	v7 =	vld.idx.msk [tilespmem:v9+s4+$0x0], $0xffff  }
.LBB2_5:
0xa9: {  	s0 =	sadd.s32 $0x40, s0;
	v9 =	vld.idx.msk [tilespmem:v4+s4+$0x0], $0xffff;
	[tilespmem:s19+$0x0] =	vst v3  }
0xaa: {  	s1 =	sand.u32 $0x1FC0, s0;
	p1 =	slt.u32 s0, $0x1FC0;
	v10 =	vld [tilespmem:s25+$0x30];
	[tilespmem:s17+$0x10] =	vst v0;
	v11 =	vmov v8;
	s17 =	smov.u32 s18  }
0xab: {  	s5 =	sadd.s32 $0x40, s5;
	s18 =	smov.u32 s19;
	s19 =	smov.u32 s20;
	v3 =	vld.idx.msk [tilespmem:v2+s4+$0x0], $0xffff;
	v4 =	vmov v6  }
.Ltmp1:
0xac: {  	s20 =	smov.u32 s21;
	s21 =	smov.u32 s23;
	v0 =	vld.idx.msk [tilespmem:v1+s4+$0x0], $0xffff;
	(pc) =	sbr.rel @p1 .LBB2_5-.Ltmp1, $4  }
0xad: {  	s10 =	sadd.s32 $0x1A700, s30;
	s30 =	smov.u32 s31;
	s31 =	smov.u32 s1;
	v8 =	vld [tilespmem:s1+$0x1A700];
	[tilespmem:s5+$0xFFFFFFE0] =	vst v7;
	v2 =	vmov v5  }
0xae: {  	s23 =	smov.u32 s26;
	s26 =	smov.u32 s5;
	s25 =	smov.u32 s22;
	v6 =	vld [tilespmem:s10+$0x10]  }
0xaf: {  	s22 =	smov.u32 s24;
	s24 =	smov.u32 s28;
	s28 =	smov.u32 s29;
	v7 =	vld.idx.msk [tilespmem:v11+s4+$0x0], $0xffff;
	[tilespmem:s21+$0xFFFFFFF0] =	vst v9;
	v1 =	vmov v10  }
0xb0: {  	s29 =	smov.u32 s10;
	v5 =	vld [tilespmem:s24+$0x20]  }
0xb1: {  	_ =	sdelay $0x4  }
0xb2: {  	v8 =	vld.idx.msk [tilespmem:v8+s4+$0x0], $0xffff;
	_ =	sdelay $0x2  }
0xb3: {  	s0 =	sadd.s32 $0x40, s5  }
0xb4: {  	s1 =	sadd.s32 $0x1A700, s30;
	s5 =	sadd.s32 $0x40, s0;
	[tilespmem:s0+$0xFFFFFFE0] =	vst v7  }
0xb5: {  	s10 =	sadd.s32 $0x1A700, s31;
	v7 =	vld [tilespmem:s1+$0x10];
	[tilespmem:s5+$0xFFFFFFE0] =	vst v8  }
0xb6: {  	v8 =	vld [tilespmem:s10+$0x10];
	_ =	sdelay $0x3  }
0xb7: {  	v4 =	vld.idx.msk [tilespmem:v4+s4+$0x0], $0xffff;
	_ =	sdelay $0x1  }
0xb8: {  	v6 =	vld.idx.msk [tilespmem:v6+s4+$0x0], $0xffff  }
0xb9: {  	v7 =	vld.idx.msk [tilespmem:v7+s4+$0x0], $0xffff  }
0xba: {  	v8 =	vld.idx.msk [tilespmem:v8+s4+$0x0], $0xffff  }
0xbb: {  	[tilespmem:s23+$0xFFFFFFF0] =	vst v4  }
0xbc: {  	v4 =	vld [tilespmem:s28+$0x20]  }
0xbd: {  	[tilespmem:s26+$0xFFFFFFF0] =	vst v6  }
0xbe: {  	v6 =	vld [tilespmem:s29+$0x20];
	[tilespmem:s0+$0xFFFFFFF0] =	vst v7  }
0xbf: {  	v7 =	vld [tilespmem:s1+$0x20];
	[tilespmem:s5+$0xFFFFFFF0] =	vst v8  }
0xc0: {  	v8 =	vld [tilespmem:s10+$0x20];
	_ =	sdelay $0x1  }
0xc1: {  	v2 =	vld.idx.msk [tilespmem:v2+s4+$0x0], $0xffff  }
0xc2: {  	v5 =	vld.idx.msk [tilespmem:v5+s4+$0x0], $0xffff  }
0xc3: {  	[tilespmem:s19+$0x0] =	vst v3;
	v4 =	vld.idx.msk [tilespmem:v4+s4+$0x0], $0xffff  }
0xc4: {  	v3 =	vld [tilespmem:s25+$0x30]  }
0xc5: {  	v6 =	vld.idx.msk [tilespmem:v6+s4+$0x0], $0xffff  }
0xc6: {  	v7 =	vld.idx.msk [tilespmem:v7+s4+$0x0], $0xffff  }
0xc7: {  	[tilespmem:s21+$0x0] =	vst v5;
	v59 =	vld.idx.msk [tilespmem:v8+s4+$0x0], $0xffff  }
0xc8: {  	v5 =	vld [tilespmem:s24+$0x30];
	[tilespmem:s23+$0x0] =	vst v4  }
0xc9: {  	[tilespmem:s20+$0x0] =	vst v2;
	v4 =	vld [tilespmem:s28+$0x30]  }
0xca: {  	v60 =	vld [tilespmem:s22+$0x30];
	[tilespmem:s26+$0x0] =	vst v6  }
0xcb: {  	v6 =	vld [tilespmem:s29+$0x30];
	[tilespmem:s0+$0x0] =	vst v7  }
0xcc: {  	v7 =	vld [tilespmem:s1+$0x30];
	[tilespmem:s5+$0x0] =	vst v59  }
0xcd: {  	v2 =	vld [tilespmem:s10+$0x30]  }
0xce: {  	v1 =	vld.idx.msk [tilespmem:v1+s4+$0x0], $0xffff  }
0xcf: {  	v3 =	vld.idx.msk [tilespmem:v3+s4+$0x0], $0xffff  }
0xd0: {  	v5 =	vld.idx.msk [tilespmem:v5+s4+$0x0], $0xffff  }
0xd1: {  	v61 =	vld.idx.msk [tilespmem:v4+s4+$0x0], $0xffff  }
0xd2: {  	[tilespmem:s17+$0x10] =	vst v0;
	v8 =	vld.idx.msk [tilespmem:v60+s4+$0x0], $0xffff  }
0xd3: {  	[tilespmem:s18+$0x10] =	vst v1;
	v62 =	vld.idx.msk [tilespmem:v6+s4+$0x0], $0xffff  }
0xd4: {  	[tilespmem:s19+$0x10] =	vst v3;
	v63 =	vld.idx.msk [tilespmem:v7+s4+$0x0], $0xffff  }
0xd5: {  	[tilespmem:s21+$0x10] =	vst v5;
	v2 =	vld.idx.msk [tilespmem:v2+s4+$0x0], $0xffff  }
0xd6: {  	[tilespmem:s23+$0x10] =	vst v61  }
0xd7: {  	[tilespmem:s20+$0x10] =	vst v8  }
0xd8: {  	[tilespmem:s26+$0x10] =	vst v62  }
0xd9: {  	s30 =	sadd.s32 s16, s3;
	[tilespmem:s0+$0x10] =	vst v63  }
.Ltmp2:
0xda: {  	s31 =	sadd.s32 $0x2000, s30;
	s0 =	simm.s32 $0x80;
	[tilespmem:s5+$0x10] =	vst v2;
	(pc) =	sbr.rel @p0 .LBB2_2-.Ltmp2, $4  }
0xdb: {  	[hbm4b:s31+s0] =	stream.strided.scatter [tilespmem:s14], [sflag:$0x1], $0x2000, s13, s0, $0x38;
	[tilespmem:$0x1E700] =	vst v63  }
0xdc: {  	_ =	swait.ge [sflag:s11], $0x2000  }
0xdd: {  	[sflag:s11] =	ssyncset.done $0x0  }
0xde: {  	p1 =	por $0x0, $0x0;
	[sflag:s11] =	ssyncadd.s32 $0xFFFFE000  }
0xdf: {  	s15 =	sadd.s32 $0x1, s15  }
0xe0: {  	p0 =	sne.s32 s15, s8  }
.Ltmp3:
0xe1: {  	_ = 	snop;
	(pc) =	sbr.rel @p0 .LBB2_1-.Ltmp3, $1  }
0xe2: {  	_ =	sdelay $0x3  }
0xe3: {  	_ =	sfence.sel $0x180000  }
0xe4: {  	[bflag:$0x0] =	sbarrier.arrive $0xFFFF  }
0xe5: {  	_ =	strace $0x90000047  }
0xe6: {  	s0 =	stileid.u32;
	[bflag:$0x2] =	sbarrier.arrive $0xFFFF  }
0xe7: {  	p0 =	sne.s32 s0, $0x0;
	s0 =	rddreg [dreg:$0x3]  }
0xe8: {  	s0 =	sadd.s32 @!p0 $0x100000, s0  }
0xe9: {  	[sflag:s0] =	ssyncadd.tile.s32 @!p0 $0x1;
	_ =	shalt  }
.Lfunc_end2:
_tile_overlayer_lowered:
.L_overlay_start_2:
0xea: {  	(tag) =	ssettag $0x2  }
0xeb: {  	s0 =	rddreg [dreg:$0x0];
	s2 =	stileid.u32  }
0xec: {  	s1 =	rddreg [dreg:$0x1];
	p0 =	sne.s32 s2, $0x0  }
0xed: {  	s3 =	rddreg [dreg:$0x2];
	[bflag:$0x3] =	sbarrier.arrive $0xFFFF;
	s2 =	simm.s32 @!p0 $0x1C01  }
0xee: {  	[timem:s3], [sflag:s2] =	dma.local @!p0 [hbm:s0], s1  }
0xef: {  	s0 =	simm.s32 @!p0 $0x1  }
0xf0: {  	_ =	swait.ge @!p0 [sflag:s0], s1  }
0xf1: {  	s1 =	ssub.s32 @!p0 $0x0, s1;
	[sflag:s0] =	ssyncset.done @!p0 $0x0  }
0xf2: {  	[sflag:s0] =	ssyncadd.s32 @!p0 s1  }
0xf3: {  	[bflag:$0x3] =	sbarrier.arrive $0xFFFF  }
0xf4: {  	_ =	shalt  }

</sc_bundles>
